<compile_context>
chip_gen: v7x
topology: tpu7x:2x2x1
jax: 0.10.2.dev20260603
libtpu: 0.0.44.dev20260713+nightly
codegen_flags: <defaults>
</compile_context>

<pallas_src>
import functools

import jax
import jax.numpy as jnp
from jax import lax
from jax.experimental import pallas as pl
from jax.experimental.pallas import tpu as pltpu
from jax.experimental.pallas import tpu_sc as plsc

NC = 2
NS = 16
NW = NC * NS
CHUNK = 128


def _sc_aggregate(x, src_p, dst_p, zrows, *, n_pad, rows_per_sub, n_chunks):
    d = x.shape[1]
    per_w = n_chunks * CHUNK
    mesh = plsc.VectorSubcoreMesh(core_axis_name="c", subcore_axis_name="s")

    @functools.partial(
        pl.kernel,
        out_type=jax.ShapeDtypeStruct((NC, n_pad, d), jnp.float32),
        mesh=mesh,
        scratch_types=[
            pltpu.VMEM_SHARED((n_pad, d), jnp.float32),
            pltpu.VMEM((CHUNK,), jnp.int32),
            pltpu.VMEM((CHUNK,), jnp.int32),
            pltpu.VMEM((CHUNK,), jnp.int32),
            pltpu.VMEM((CHUNK,), jnp.int32),
            pltpu.VMEM((CHUNK, d), jnp.float32),
            pltpu.VMEM((CHUNK, d), jnp.float32),
            pltpu.SemaphoreType.DMA,
            pltpu.SemaphoreType.DMA,
            pltpu.SemaphoreType.DMA,
        ],
    )
    def agg(x_hbm, src_hbm, dst_hbm, z_hbm, out_hbm, acc_sh,
            sidx_a, didx_a, sidx_b, didx_b, rows_a, rows_b,
            gsem_a, gsem_b, isem):
        cid = lax.axis_index("c")
        sid = lax.axis_index("s")
        wid = sid * NC + cid
        r0 = sid * rows_per_sub
        e0 = wid * per_w

        def idx_sync(j, sidx, didx):
            base = pl.multiple_of(e0 + j * CHUNK, CHUNK)
            ca = pltpu.async_copy(src_hbm.at[pl.ds(base, CHUNK)], sidx, isem)
            cb = pltpu.async_copy(dst_hbm.at[pl.ds(base, CHUNK)], didx, isem)
            ca.wait()
            cb.wait()

        def gather_start(sidx, rows, gsem):
            pltpu.async_copy(x_hbm.at[sidx], rows, gsem)

        def gather_wait(sidx, rows, gsem):
            pltpu.make_async_copy(x_hbm.at[sidx], rows, gsem).wait()

        def scatter_sync(didx, rows):
            pltpu.sync_copy(rows, acc_sh.at[didx], add=True)

        pltpu.sync_copy(z_hbm, acc_sh.at[pl.ds(r0, rows_per_sub)])
        plsc.subcore_barrier()

        idx_sync(0, sidx_a, didx_a)
        gather_start(sidx_a, rows_a, gsem_a)

        def body(t, carry):
            j = 2 * t
            idx_sync(j + 1, sidx_b, didx_b)
            gather_start(sidx_b, rows_b, gsem_b)
            gather_wait(sidx_a, rows_a, gsem_a)
            scatter_sync(didx_a, rows_a)
            idx_sync(j + 2, sidx_a, didx_a)
            gather_start(sidx_a, rows_a, gsem_a)
            gather_wait(sidx_b, rows_b, gsem_b)
            scatter_sync(didx_b, rows_b)
            return carry

        lax.fori_loop(0, n_chunks // 2, body, 0)
        gather_wait(sidx_a, rows_a, gsem_a)

        plsc.subcore_barrier()
        pltpu.sync_copy(acc_sh.at[pl.ds(r0, rows_per_sub)],
                        out_hbm.at[cid, pl.ds(r0, rows_per_sub)])

    return agg(x, src_p, dst_p, zrows)


def _tc_body(p0_ref, p1_ref, x_ref, wn_ref, wr_ref, bn_ref, br_ref, o_ref):
    neigh = p0_ref[...] + p1_ref[...]
    o_ref[...] = (
        jnp.dot(neigh, wn_ref[...], preferred_element_type=jnp.float32)
        + jnp.dot(x_ref[...], wr_ref[...], preferred_element_type=jnp.float32)
        + bn_ref[...] + br_ref[...]
    )


def _tc_dense(p0, p1, x, wn, wr, bn, br):
    m, d = x.shape
    bm = 1000
    dn = wn.shape[1]
    return pl.pallas_call(
        _tc_body,
        grid=(m // bm,),
        in_specs=[
            pl.BlockSpec((bm, d), lambda i: (i, 0)),
            pl.BlockSpec((bm, d), lambda i: (i, 0)),
            pl.BlockSpec((bm, d), lambda i: (i, 0)),
            pl.BlockSpec((d, dn), lambda i: (0, 0)),
            pl.BlockSpec((d, dn), lambda i: (0, 0)),
            pl.BlockSpec((1, dn), lambda i: (0, 0)),
            pl.BlockSpec((1, dn), lambda i: (0, 0)),
        ],
        out_specs=pl.BlockSpec((bm, dn), lambda i: (i, 0)),
        out_shape=jax.ShapeDtypeStruct((m, dn), jnp.float32),
    )(p0, p1, x, wn, wr, bn.reshape(1, dn), br.reshape(1, dn))


def kernel(x, edge_index, W_neigh, b_neigh, W_root, b_root):
    n, d = x.shape
    e = edge_index.shape[1]
    src = edge_index[0].astype(jnp.int32)
    dst = edge_index[1].astype(jnp.int32)

    rows_per_sub = -(-(n + 1) // (NS * 8)) * 8
    n_pad = NS * rows_per_sub

    per_w = -(-e // NW)
    n_chunks = -(-(-(-per_w // CHUNK)) // 8) * 8
    e_pad = (NW * n_chunks + 1) * CHUNK
    pad = e_pad - e
    src_p = jnp.concatenate([src, jnp.zeros((pad,), jnp.int32)])
    dst_p = jnp.concatenate([dst, jnp.full((pad,), n, jnp.int32)])

    zrows = jnp.zeros((rows_per_sub, d), jnp.float32)

    partial = _sc_aggregate(x, src_p, dst_p, zrows,
                            n_pad=n_pad, rows_per_sub=rows_per_sub,
                            n_chunks=n_chunks)
    return _tc_dense(partial[0, :n], partial[1, :n], x,
                     W_neigh, W_root, b_neigh, b_root)

# --- scband reference (transcript-rebuilt; emitter-appended) ---
"""Pipeline reference for scband-graph-conv-936302871047 (READ-ONLY COPY).

The authoritative reference and input builder live on the scoring server;
editing this copy changes nothing except your own understanding.
"""

import jax, jax.numpy as jnp
import numpy as np

N_NODES = 10000
N_EDGES = 320000
D_IN = 128
D_OUT = 128


def setup_inputs(seed: int = 0) -> dict:
    key = jax.random.key(seed)
    k_x, k_e, k_wn, k_bn, k_wr, k_br = jax.random.split(key, 6)
    x = jax.random.normal(k_x, (N_NODES, D_IN), dtype=jnp.float32)
    edge_index = jax.random.randint(k_e, (2, N_EDGES), 0, N_NODES)
    W_neigh = jax.random.normal(k_wn, (D_IN, D_OUT), dtype=jnp.float32) * 0.05
    b_neigh = jax.random.normal(k_bn, (D_OUT,), dtype=jnp.float32) * 0.05
    W_root = jax.random.normal(k_wr, (D_IN, D_OUT), dtype=jnp.float32) * 0.05
    b_root = jax.random.normal(k_br, (D_OUT,), dtype=jnp.float32) * 0.05
    return {"x": x, "edge_index": edge_index, "W_neigh": W_neigh, "b_neigh": b_neigh, "W_root": W_root, "b_root": b_root}


def reference(x, edge_index, W_neigh, b_neigh, W_root, b_root):
    # sum_propagate: gather source-node features along edges, scatter-add to dst nodes
    src = edge_index[0]
    dst = edge_index[1]
    messages = jnp.take(x, src, axis=0)  # [E, D_IN] gather
    neigh = jax.ops.segment_sum(messages, dst, num_segments=x.shape[0])  # [N, D_IN] scatter-add
    # neigh_linear(neigh) + root_linear(x)
    return (neigh @ W_neigh + b_neigh) + (x @ W_root + b_root)

if __name__ == "__main__":
    import jax
    _d = setup_inputs()
    print(jax.jit(kernel)(*tuple(_d.values())))

</pallas_src>

<mosaic_0001>
#map = affine_map<(d0, d1) -> (0, 0)>
#map1 = affine_map<(d0, d1) -> (0)>
#map2 = affine_map<(d0, d1) -> (0, 0, 0)>
module attributes {stable_mosaic.version = 14 : i64} {
  func.func @agg(%arg0: i32, %arg1: i32, %arg2: memref<10000x128xf32, #tpu.memory_space<hbm>>, %arg3: memref<327808xi32, #tpu.memory_space<hbm>>, %arg4: memref<327808xi32, #tpu.memory_space<hbm>>, %arg5: memref<632x128xf32, #tpu.memory_space<hbm>>, %arg6: memref<2x10112x128xf32, #tpu.memory_space<hbm>>, %arg7: memref<10112x128xf32, #tpu.memory_space<vmem_shared>>, %arg8: memref<128xi32, #tpu.memory_space<vmem>>, %arg9: memref<128xi32, #tpu.memory_space<vmem>>, %arg10: memref<128xi32, #tpu.memory_space<vmem>>, %arg11: memref<128xi32, #tpu.memory_space<vmem>>, %arg12: memref<128x128xf32, #tpu.memory_space<vmem>>, %arg13: memref<128x128xf32, #tpu.memory_space<vmem>>, %arg14: memref<!tpu.dma_semaphore, #tpu.memory_space<semaphore_mem>>, %arg15: memref<!tpu.dma_semaphore, #tpu.memory_space<semaphore_mem>>, %arg16: memref<!tpu.dma_semaphore, #tpu.memory_space<semaphore_mem>>) attributes {dimension_semantics = [#tpu.dimension_semantics<core_parallel>, #tpu.dimension_semantics<subcore_parallel>], iteration_bounds = array<i64: 2, 16>, scalar_prefetch = 0 : i64, scratch_operands = 10 : i64, tpu.core_type = #tpu.core_type<sc_vector_subcore>, window_params = [{transform_indices = #map}, {transform_indices = #map1}, {transform_indices = #map1}, {transform_indices = #map}, {transform_indices = #map2}]} {
    %mul3A = arith.constant 2 : i32
    %mul3A_0 = arith.muli %arg1, %mul3A : i32
    %add3A = arith.addi %mul3A_0, %arg0 : i32
    %mul3A_1 = arith.constant 632 : i32
    %mul3A_2 = arith.muli %arg1, %mul3A_1 : i32
    %mul3A_3 = arith.constant 10240 : i32
    %mul3A_4 = arith.muli %add3A, %mul3A_3 : i32
    "tpu.region"() ({
      %run_scoped3A = tpu.sem_alloc : memref<!tpu.dma_semaphore, #tpu.memory_space<semaphore_mem>>
      %dma_start3A_25 = arith.constant 0 : i32
      %dma_start3A_26 = tpu.memref_slice %arg7[%mul3A_2, %dma_start3A_25] : memref<10112x128xf32, #tpu.memory_space<vmem_shared>> -> memref<632x128xf32, #tpu.memory_space<vmem_shared>>
      tpu.enqueue_dma source(%arg5 : memref<632x128xf32, #tpu.memory_space<hbm>>) target(%dma_start3A_26 : memref<632x128xf32, #tpu.memory_space<vmem_shared>>) target_semaphore(%run_scoped3A : memref<!tpu.dma_semaphore, #tpu.memory_space<semaphore_mem>>)
      %dma_wait3A_27 = arith.constant 0 : i32
      %dma_wait3A_28 = tpu.memref_slice %arg7[%mul3A_2, %dma_wait3A_27] : memref<10112x128xf32, #tpu.memory_space<vmem_shared>> -> memref<632x128xf32, #tpu.memory_space<vmem_shared>>
      tpu.wait_dma2 semaphore(%run_scoped3A : memref<!tpu.dma_semaphore, #tpu.memory_space<semaphore_mem>>) src(%arg5 : memref<632x128xf32, #tpu.memory_space<hbm>>) dst(%dma_wait3A_28 : memref<632x128xf32, #tpu.memory_space<vmem_shared>>)
      tpu.yield
    }) : () -> ()
    %barrier3A = arith.constant 0 : index
    tpu.barrier barrier_id(%barrier3A)
    %add3A_5 = arith.constant 0 : i32
    %add3A_6 = arith.addi %mul3A_4, %add3A_5 : i32
    %multiple_of3A = tpu.assume_multiple %add3A_6, 128 : i32
    %dma_start3A = tpu.memref_slice %arg3[%multiple_of3A] : memref<327808xi32, #tpu.memory_space<hbm>> -> memref<128xi32, #tpu.memory_space<hbm>>
    %dma_start3A_7 = tpu.memref_slice %arg3[%multiple_of3A] : memref<327808xi32, #tpu.memory_space<hbm>> -> memref<128xi32, #tpu.memory_space<hbm>>
    tpu.enqueue_dma source(%dma_start3A_7 : memref<128xi32, #tpu.memory_space<hbm>>) target(%arg8 : memref<128xi32, #tpu.memory_space<vmem>>) target_semaphore(%arg16 : memref<!tpu.dma_semaphore, #tpu.memory_space<semaphore_mem>>)
    %dma_start3A_8 = tpu.memref_slice %arg4[%multiple_of3A] : memref<327808xi32, #tpu.memory_space<hbm>> -> memref<128xi32, #tpu.memory_space<hbm>>
    %dma_start3A_9 = tpu.memref_slice %arg4[%multiple_of3A] : memref<327808xi32, #tpu.memory_space<hbm>> -> memref<128xi32, #tpu.memory_space<hbm>>
    tpu.enqueue_dma source(%dma_start3A_9 : memref<128xi32, #tpu.memory_space<hbm>>) target(%arg9 : memref<128xi32, #tpu.memory_space<vmem>>) target_semaphore(%arg16 : memref<!tpu.dma_semaphore, #tpu.memory_space<semaphore_mem>>)
    %dma_wait3A = tpu.memref_slice %arg3[%multiple_of3A] : memref<327808xi32, #tpu.memory_space<hbm>> -> memref<128xi32, #tpu.memory_space<hbm>>
    %dma_wait3A_10 = tpu.memref_slice %arg3[%multiple_of3A] : memref<327808xi32, #tpu.memory_space<hbm>> -> memref<128xi32, #tpu.memory_space<hbm>>
    tpu.wait_dma2 semaphore(%arg16 : memref<!tpu.dma_semaphore, #tpu.memory_space<semaphore_mem>>) src(%dma_wait3A_10 : memref<128xi32, #tpu.memory_space<hbm>>) dst(%arg8 : memref<128xi32, #tpu.memory_space<vmem>>)
    %dma_wait3A_11 = tpu.memref_slice %arg4[%multiple_of3A] : memref<327808xi32, #tpu.memory_space<hbm>> -> memref<128xi32, #tpu.memory_space<hbm>>
    %dma_wait3A_12 = tpu.memref_slice %arg4[%multiple_of3A] : memref<327808xi32, #tpu.memory_space<hbm>> -> memref<128xi32, #tpu.memory_space<hbm>>
    tpu.wait_dma2 semaphore(%arg16 : memref<!tpu.dma_semaphore, #tpu.memory_space<semaphore_mem>>) src(%dma_wait3A_12 : memref<128xi32, #tpu.memory_space<hbm>>) dst(%arg9 : memref<128xi32, #tpu.memory_space<vmem>>)
    %dma_start3A_13 = arith.constant 0 : i32
    %dma_start3A_14 = arith.constant 0 : i32
    %dma_start3A_15 = tpu.memref_slice %arg2[%dma_start3A_13, %dma_start3A_14] : memref<10000x128xf32, #tpu.memory_space<hbm>> -> memref<10000x128xf32, #tpu.memory_space<hbm>>
    tpu.enqueue_indirect_dma source(%dma_start3A_15 : memref<10000x128xf32, #tpu.memory_space<hbm>>) target(%arg12 : memref<128x128xf32, #tpu.memory_space<vmem>>) offsets(%arg8 : memref<128xi32, #tpu.memory_space<vmem>>) semaphore(%arg14 : memref<!tpu.dma_semaphore, #tpu.memory_space<semaphore_mem>>)
    %scan3A = arith.constant 0 : i32
    %scan3A_16 = arith.constant 0 : i32
    %scan3A_17 = arith.constant 40 : i32
    %scan3A_18 = arith.addi %scan3A_16, %scan3A_17 : i32
    %scan3A_19 = arith.constant 1 : i32
    scf.for %scan3A_25 = %scan3A_16 to %scan3A_18 step %scan3A_19  : i32 {
      %mul3A_26 = arith.constant 2 : i32
      %mul3A_27 = arith.muli %mul3A_26, %scan3A_25 : i32
      %add3A_28 = arith.constant 1 : i32
      %add3A_29 = arith.addi %mul3A_27, %add3A_28 : i32
      %mul3A_30 = arith.constant 128 : i32
      %mul3A_31 = arith.muli %add3A_29, %mul3A_30 : i32
      %add3A_32 = arith.addi %mul3A_4, %mul3A_31 : i32
      %multiple_of3A_33 = tpu.assume_multiple %add3A_32, 128 : i32
      %dma_start3A_34 = tpu.memref_slice %arg3[%multiple_of3A_33] : memref<327808xi32, #tpu.memory_space<hbm>> -> memref<128xi32, #tpu.memory_space<hbm>>
      %dma_start3A_35 = tpu.memref_slice %arg3[%multiple_of3A_33] : memref<327808xi32, #tpu.memory_space<hbm>> -> memref<128xi32, #tpu.memory_space<hbm>>
      tpu.enqueue_dma source(%dma_start3A_35 : memref<128xi32, #tpu.memory_space<hbm>>) target(%arg10 : memref<128xi32, #tpu.memory_space<vmem>>) target_semaphore(%arg16 : memref<!tpu.dma_semaphore, #tpu.memory_space<semaphore_mem>>)
      %dma_start3A_36 = tpu.memref_slice %arg4[%multiple_of3A_33] : memref<327808xi32, #tpu.memory_space<hbm>> -> memref<128xi32, #tpu.memory_space<hbm>>
      %dma_start3A_37 = tpu.memref_slice %arg4[%multiple_of3A_33] : memref<327808xi32, #tpu.memory_space<hbm>> -> memref<128xi32, #tpu.memory_space<hbm>>
      tpu.enqueue_dma source(%dma_start3A_37 : memref<128xi32, #tpu.memory_space<hbm>>) target(%arg11 : memref<128xi32, #tpu.memory_space<vmem>>) target_semaphore(%arg16 : memref<!tpu.dma_semaphore, #tpu.memory_space<semaphore_mem>>)
      %dma_wait3A_38 = tpu.memref_slice %arg3[%multiple_of3A_33] : memref<327808xi32, #tpu.memory_space<hbm>> -> memref<128xi32, #tpu.memory_space<hbm>>
      %dma_wait3A_39 = tpu.memref_slice %arg3[%multiple_of3A_33] : memref<327808xi32, #tpu.memory_space<hbm>> -> memref<128xi32, #tpu.memory_space<hbm>>
      tpu.wait_dma2 semaphore(%arg16 : memref<!tpu.dma_semaphore, #tpu.memory_space<semaphore_mem>>) src(%dma_wait3A_39 : memref<128xi32, #tpu.memory_space<hbm>>) dst(%arg10 : memref<128xi32, #tpu.memory_space<vmem>>)
      %dma_wait3A_40 = tpu.memref_slice %arg4[%multiple_of3A_33] : memref<327808xi32, #tpu.memory_space<hbm>> -> memref<128xi32, #tpu.memory_space<hbm>>
      %dma_wait3A_41 = tpu.memref_slice %arg4[%multiple_of3A_33] : memref<327808xi32, #tpu.memory_space<hbm>> -> memref<128xi32, #tpu.memory_space<hbm>>
      tpu.wait_dma2 semaphore(%arg16 : memref<!tpu.dma_semaphore, #tpu.memory_space<semaphore_mem>>) src(%dma_wait3A_41 : memref<128xi32, #tpu.memory_space<hbm>>) dst(%arg11 : memref<128xi32, #tpu.memory_space<vmem>>)
      %dma_start3A_42 = arith.constant 0 : i32
      %dma_start3A_43 = arith.constant 0 : i32
      %dma_start3A_44 = tpu.memref_slice %arg2[%dma_start3A_42, %dma_start3A_43] : memref<10000x128xf32, #tpu.memory_space<hbm>> -> memref<10000x128xf32, #tpu.memory_space<hbm>>
      tpu.enqueue_indirect_dma source(%dma_start3A_44 : memref<10000x128xf32, #tpu.memory_space<hbm>>) target(%arg13 : memref<128x128xf32, #tpu.memory_space<vmem>>) offsets(%arg10 : memref<128xi32, #tpu.memory_space<vmem>>) semaphore(%arg15 : memref<!tpu.dma_semaphore, #tpu.memory_space<semaphore_mem>>)
      %dma_wait3A_45 = arith.constant 0 : i32
      %dma_wait3A_46 = arith.constant 0 : i32
      %dma_wait3A_47 = tpu.memref_slice %arg2[%dma_wait3A_45, %dma_wait3A_46] : memref<10000x128xf32, #tpu.memory_space<hbm>> -> memref<10000x128xf32, #tpu.memory_space<hbm>>
      tpu.wait_indirect_dma semaphore(%arg14 : memref<!tpu.dma_semaphore, #tpu.memory_space<semaphore_mem>>) src(%dma_wait3A_47 : memref<10000x128xf32, #tpu.memory_space<hbm>>) dst(%arg12 : memref<128x128xf32, #tpu.memory_space<vmem>>)
      "tpu.region"() ({
        %run_scoped3A = tpu.sem_alloc : memref<!tpu.dma_semaphore, #tpu.memory_space<semaphore_mem>>
        %dma_start3A_68 = arith.constant 0 : i32
        %dma_start3A_69 = arith.constant 0 : i32
        %dma_start3A_70 = tpu.memref_slice %arg7[%dma_start3A_68, %dma_start3A_69] : memref<10112x128xf32, #tpu.memory_space<vmem_shared>> -> memref<10112x128xf32, #tpu.memory_space<vmem_shared>>
        tpu.enqueue_indirect_dma source(%arg12 : memref<128x128xf32, #tpu.memory_space<vmem>>) target(%dma_start3A_70 : memref<10112x128xf32, #tpu.memory_space<vmem_shared>>) offsets(%arg9 : memref<128xi32, #tpu.memory_space<vmem>>) semaphore(%run_scoped3A : memref<!tpu.dma_semaphore, #tpu.memory_space<semaphore_mem>>) {add = true}
        %dma_wait3A_71 = arith.constant 0 : i32
        %dma_wait3A_72 = arith.constant 0 : i32
        %dma_wait3A_73 = tpu.memref_slice %arg7[%dma_wait3A_71, %dma_wait3A_72] : memref<10112x128xf32, #tpu.memory_space<vmem_shared>> -> memref<10112x128xf32, #tpu.memory_space<vmem_shared>>
        tpu.wait_indirect_dma semaphore(%run_scoped3A : memref<!tpu.dma_semaphore, #tpu.memory_space<semaphore_mem>>) src(%arg12 : memref<128x128xf32, #tpu.memory_space<vmem>>) dst(%dma_wait3A_73 : memref<10112x128xf32, #tpu.memory_space<vmem_shared>>)
        tpu.yield
      }) : () -> ()
      %add3A_48 = arith.constant 2 : i32
      %add3A_49 = arith.addi %mul3A_27, %add3A_48 : i32
      %mul3A_50 = arith.constant 128 : i32
      %mul3A_51 = arith.muli %add3A_49, %mul3A_50 : i32
      %add3A_52 = arith.addi %mul3A_4, %mul3A_51 : i32
      %multiple_of3A_53 = tpu.assume_multiple %add3A_52, 128 : i32
      %dma_start3A_54 = tpu.memref_slice %arg3[%multiple_of3A_53] : memref<327808xi32, #tpu.memory_space<hbm>> -> memref<128xi32, #tpu.memory_space<hbm>>
      %dma_start3A_55 = tpu.memref_slice %arg3[%multiple_of3A_53] : memref<327808xi32, #tpu.memory_space<hbm>> -> memref<128xi32, #tpu.memory_space<hbm>>
      tpu.enqueue_dma source(%dma_start3A_55 : memref<128xi32, #tpu.memory_space<hbm>>) target(%arg8 : memref<128xi32, #tpu.memory_space<vmem>>) target_semaphore(%arg16 : memref<!tpu.dma_semaphore, #tpu.memory_space<semaphore_mem>>)
      %dma_start3A_56 = tpu.memref_slice %arg4[%multiple_of3A_53] : memref<327808xi32, #tpu.memory_space<hbm>> -> memref<128xi32, #tpu.memory_space<hbm>>
      %dma_start3A_57 = tpu.memref_slice %arg4[%multiple_of3A_53] : memref<327808xi32, #tpu.memory_space<hbm>> -> memref<128xi32, #tpu.memory_space<hbm>>
      tpu.enqueue_dma source(%dma_start3A_57 : memref<128xi32, #tpu.memory_space<hbm>>) target(%arg9 : memref<128xi32, #tpu.memory_space<vmem>>) target_semaphore(%arg16 : memref<!tpu.dma_semaphore, #tpu.memory_space<semaphore_mem>>)
      %dma_wait3A_58 = tpu.memref_slice %arg3[%multiple_of3A_53] : memref<327808xi32, #tpu.memory_space<hbm>> -> memref<128xi32, #tpu.memory_space<hbm>>
      %dma_wait3A_59 = tpu.memref_slice %arg3[%multiple_of3A_53] : memref<327808xi32, #tpu.memory_space<hbm>> -> memref<128xi32, #tpu.memory_space<hbm>>
      tpu.wait_dma2 semaphore(%arg16 : memref<!tpu.dma_semaphore, #tpu.memory_space<semaphore_mem>>) src(%dma_wait3A_59 : memref<128xi32, #tpu.memory_space<hbm>>) dst(%arg8 : memref<128xi32, #tpu.memory_space<vmem>>)
      %dma_wait3A_60 = tpu.memref_slice %arg4[%multiple_of3A_53] : memref<327808xi32, #tpu.memory_space<hbm>> -> memref<128xi32, #tpu.memory_space<hbm>>
      %dma_wait3A_61 = tpu.memref_slice %arg4[%multiple_of3A_53] : memref<327808xi32, #tpu.memory_space<hbm>> -> memref<128xi32, #tpu.memory_space<hbm>>
      tpu.wait_dma2 semaphore(%arg16 : memref<!tpu.dma_semaphore, #tpu.memory_space<semaphore_mem>>) src(%dma_wait3A_61 : memref<128xi32, #tpu.memory_space<hbm>>) dst(%arg9 : memref<128xi32, #tpu.memory_space<vmem>>)
      %dma_start3A_62 = arith.constant 0 : i32
      %dma_start3A_63 = arith.constant 0 : i32
      %dma_start3A_64 = tpu.memref_slice %arg2[%dma_start3A_62, %dma_start3A_63] : memref<10000x128xf32, #tpu.memory_space<hbm>> -> memref<10000x128xf32, #tpu.memory_space<hbm>>
      tpu.enqueue_indirect_dma source(%dma_start3A_64 : memref<10000x128xf32, #tpu.memory_space<hbm>>) target(%arg12 : memref<128x128xf32, #tpu.memory_space<vmem>>) offsets(%arg8 : memref<128xi32, #tpu.memory_space<vmem>>) semaphore(%arg14 : memref<!tpu.dma_semaphore, #tpu.memory_space<semaphore_mem>>)
      %dma_wait3A_65 = arith.constant 0 : i32
      %dma_wait3A_66 = arith.constant 0 : i32
      %dma_wait3A_67 = tpu.memref_slice %arg2[%dma_wait3A_65, %dma_wait3A_66] : memref<10000x128xf32, #tpu.memory_space<hbm>> -> memref<10000x128xf32, #tpu.memory_space<hbm>>
      tpu.wait_indirect_dma semaphore(%arg15 : memref<!tpu.dma_semaphore, #tpu.memory_space<semaphore_mem>>) src(%dma_wait3A_67 : memref<10000x128xf32, #tpu.memory_space<hbm>>) dst(%arg13 : memref<128x128xf32, #tpu.memory_space<vmem>>)
      "tpu.region"() ({
        %run_scoped3A = tpu.sem_alloc : memref<!tpu.dma_semaphore, #tpu.memory_space<semaphore_mem>>
        %dma_start3A_68 = arith.constant 0 : i32
        %dma_start3A_69 = arith.constant 0 : i32
        %dma_start3A_70 = tpu.memref_slice %arg7[%dma_start3A_68, %dma_start3A_69] : memref<10112x128xf32, #tpu.memory_space<vmem_shared>> -> memref<10112x128xf32, #tpu.memory_space<vmem_shared>>
        tpu.enqueue_indirect_dma source(%arg13 : memref<128x128xf32, #tpu.memory_space<vmem>>) target(%dma_start3A_70 : memref<10112x128xf32, #tpu.memory_space<vmem_shared>>) offsets(%arg11 : memref<128xi32, #tpu.memory_space<vmem>>) semaphore(%run_scoped3A : memref<!tpu.dma_semaphore, #tpu.memory_space<semaphore_mem>>) {add = true}
        %dma_wait3A_71 = arith.constant 0 : i32
        %dma_wait3A_72 = arith.constant 0 : i32
        %dma_wait3A_73 = tpu.memref_slice %arg7[%dma_wait3A_71, %dma_wait3A_72] : memref<10112x128xf32, #tpu.memory_space<vmem_shared>> -> memref<10112x128xf32, #tpu.memory_space<vmem_shared>>
        tpu.wait_indirect_dma semaphore(%run_scoped3A : memref<!tpu.dma_semaphore, #tpu.memory_space<semaphore_mem>>) src(%arg13 : memref<128x128xf32, #tpu.memory_space<vmem>>) dst(%dma_wait3A_73 : memref<10112x128xf32, #tpu.memory_space<vmem_shared>>)
        tpu.yield
      }) : () -> ()
    }
    %scan3A_20 = arith.constant 40 : i32
    %dma_wait3A_21 = arith.constant 0 : i32
    %dma_wait3A_22 = arith.constant 0 : i32
    %dma_wait3A_23 = tpu.memref_slice %arg2[%dma_wait3A_21, %dma_wait3A_22] : memref<10000x128xf32, #tpu.memory_space<hbm>> -> memref<10000x128xf32, #tpu.memory_space<hbm>>
    tpu.wait_indirect_dma semaphore(%arg14 : memref<!tpu.dma_semaphore, #tpu.memory_space<semaphore_mem>>) src(%dma_wait3A_23 : memref<10000x128xf32, #tpu.memory_space<hbm>>) dst(%arg12 : memref<128x128xf32, #tpu.memory_space<vmem>>)
    %barrier3A_24 = arith.constant 0 : index
    tpu.barrier barrier_id(%barrier3A_24)
    "tpu.region"() ({
      %run_scoped3A = tpu.sem_alloc : memref<!tpu.dma_semaphore, #tpu.memory_space<semaphore_mem>>
      %dma_start3A_25 = arith.constant 0 : i32
      %dma_start3A_26 = tpu.memref_slice %arg6[%arg0, %mul3A_2, %dma_start3A_25] : memref<2x10112x128xf32, #tpu.memory_space<hbm>> -> memref<1x632x128xf32, #tpu.memory_space<hbm>>
      %dma_start3A_27 = tpu.memref_squeeze %dma_start3A_26 : memref<1x632x128xf32, #tpu.memory_space<hbm>> -> memref<632x128xf32, #tpu.memory_space<hbm>>
      %dma_start3A_28 = arith.constant 0 : i32
      %dma_start3A_29 = tpu.memref_slice %arg7[%mul3A_2, %dma_start3A_28] : memref<10112x128xf32, #tpu.memory_space<vmem_shared>> -> memref<632x128xf32, #tpu.memory_space<vmem_shared>>
      tpu.enqueue_dma source(%dma_start3A_29 : memref<632x128xf32, #tpu.memory_space<vmem_shared>>) target(%dma_start3A_27 : memref<632x128xf32, #tpu.memory_space<hbm>>) target_semaphore(%run_scoped3A : memref<!tpu.dma_semaphore, #tpu.memory_space<semaphore_mem>>)
      %dma_wait3A_30 = arith.constant 0 : i32
      %dma_wait3A_31 = tpu.memref_slice %arg6[%arg0, %mul3A_2, %dma_wait3A_30] : memref<2x10112x128xf32, #tpu.memory_space<hbm>> -> memref<1x632x128xf32, #tpu.memory_space<hbm>>
      %dma_wait3A_32 = tpu.memref_squeeze %dma_wait3A_31 : memref<1x632x128xf32, #tpu.memory_space<hbm>> -> memref<632x128xf32, #tpu.memory_space<hbm>>
      %dma_wait3A_33 = arith.constant 0 : i32
      %dma_wait3A_34 = tpu.memref_slice %arg7[%mul3A_2, %dma_wait3A_33] : memref<10112x128xf32, #tpu.memory_space<vmem_shared>> -> memref<632x128xf32, #tpu.memory_space<vmem_shared>>
      tpu.wait_dma2 semaphore(%run_scoped3A : memref<!tpu.dma_semaphore, #tpu.memory_space<semaphore_mem>>) src(%dma_wait3A_34 : memref<632x128xf32, #tpu.memory_space<vmem_shared>>) dst(%dma_wait3A_32 : memref<632x128xf32, #tpu.memory_space<hbm>>)
      tpu.yield
    }) : () -> ()
    return
  }
}

module attributes {stable_mosaic.version = 14 : i64} {
  func.func @_tc_body(%arg0: i32, %arg1: memref<1000x128xf32, #tpu.memory_space<vmem>>, %arg2: memref<1000x128xf32, #tpu.memory_space<vmem>>, %arg3: memref<1000x128xf32, #tpu.memory_space<vmem>>, %arg4: memref<128x128xf32, #tpu.memory_space<vmem>>, %arg5: memref<128x128xf32, #tpu.memory_space<vmem>>, %arg6: memref<1x128xf32, #tpu.memory_space<vmem>>, %arg7: memref<1x128xf32, #tpu.memory_space<vmem>>, %arg8: memref<1000x128xf32, #tpu.memory_space<vmem>>) attributes {dimension_semantics = [#tpu.dimension_semantics<arbitrary>], iteration_bounds = array<i64: 10>, scalar_prefetch = 0 : i64, scratch_operands = 0 : i64, tpu.core_type = #tpu.core_type<tc>, window_params = [{transform_indices = @transform_0, window_bounds = array<i64: 1000, 128>}, {transform_indices = @transform_1, window_bounds = array<i64: 1000, 128>}, {transform_indices = @transform_2, window_bounds = array<i64: 1000, 128>}, {pipeline_mode = #tpu.pipeline_mode<synchronous>, transform_indices = @transform_3, window_bounds = array<i64: 128, 128>}, {pipeline_mode = #tpu.pipeline_mode<synchronous>, transform_indices = @transform_4, window_bounds = array<i64: 128, 128>}, {pipeline_mode = #tpu.pipeline_mode<synchronous>, transform_indices = @transform_5, window_bounds = array<i64: 1, 128>}, {pipeline_mode = #tpu.pipeline_mode<synchronous>, transform_indices = @transform_6, window_bounds = array<i64: 1, 128>}, {transform_indices = @transform_7, window_bounds = array<i64: 1000, 128>}]} {
    %get3A = arith.constant 0 : index
    %get3A_0 = arith.constant 0 : index
    %get3A_1 = vector.load %arg1[%get3A, %get3A_0] : memref<1000x128xf32, #tpu.memory_space<vmem>>, vector<1000x128xf32>
    %get3A_2 = arith.constant 0 : index
    %get3A_3 = arith.constant 0 : index
    %get3A_4 = vector.load %arg2[%get3A_2, %get3A_3] : memref<1000x128xf32, #tpu.memory_space<vmem>>, vector<1000x128xf32>
    %add3A = arith.addf %get3A_1, %get3A_4 : vector<1000x128xf32>
    %get3A_5 = arith.constant 0 : index
    %get3A_6 = arith.constant 0 : index
    %get3A_7 = vector.load %arg4[%get3A_5, %get3A_6] : memref<128x128xf32, #tpu.memory_space<vmem>>, vector<128x128xf32>
    %dot_general3A = arith.constant dense<0.000000e+00> : vector<1000x128xf32>
    %dot_general3A_8 = tpu.matmul %add3A, %get3A_7, %dot_general3A {dimension_numbers = #tpu.dot_dimension_numbers<[1], [0], [0], [1], [0, 0, 1, 1], [], []>, transpose_lhs_hint = false} : vector<1000x128xf32>, vector<128x128xf32>, vector<1000x128xf32> -> vector<1000x128xf32>
    %get3A_9 = arith.constant 0 : index
    %get3A_10 = arith.constant 0 : index
    %get3A_11 = vector.load %arg3[%get3A_9, %get3A_10] : memref<1000x128xf32, #tpu.memory_space<vmem>>, vector<1000x128xf32>
    %get3A_12 = arith.constant 0 : index
    %get3A_13 = arith.constant 0 : index
    %get3A_14 = vector.load %arg5[%get3A_12, %get3A_13] : memref<128x128xf32, #tpu.memory_space<vmem>>, vector<128x128xf32>
    %dot_general3A_15 = arith.constant dense<0.000000e+00> : vector<1000x128xf32>
    %dot_general3A_16 = tpu.matmul %get3A_11, %get3A_14, %dot_general3A_15 {dimension_numbers = #tpu.dot_dimension_numbers<[1], [0], [0], [1], [0, 0, 1, 1], [], []>, transpose_lhs_hint = false} : vector<1000x128xf32>, vector<128x128xf32>, vector<1000x128xf32> -> vector<1000x128xf32>
    %add3A_17 = arith.addf %dot_general3A_8, %dot_general3A_16 : vector<1000x128xf32>
    %get3A_18 = arith.constant 0 : index
    %get3A_19 = arith.constant 0 : index
    %get3A_20 = vector.load %arg6[%get3A_18, %get3A_19] : memref<1x128xf32, #tpu.memory_space<vmem>>, vector<1x128xf32>
    %add3A_21 = vector.broadcast %get3A_20 : vector<1x128xf32> to vector<1000x128xf32>
    %add3A_22 = arith.addf %add3A_17, %add3A_21 : vector<1000x128xf32>
    %get3A_23 = arith.constant 0 : index
    %get3A_24 = arith.constant 0 : index
    %get3A_25 = vector.load %arg7[%get3A_23, %get3A_24] : memref<1x128xf32, #tpu.memory_space<vmem>>, vector<1x128xf32>
    %add3A_26 = vector.broadcast %get3A_25 : vector<1x128xf32> to vector<1000x128xf32>
    %add3A_27 = arith.addf %add3A_22, %add3A_26 : vector<1000x128xf32>
    %swap3A = arith.constant 0 : index
    %swap3A_28 = arith.constant 0 : index
    %swap3A_29 = vector.load %arg8[%swap3A, %swap3A_28] : memref<1000x128xf32, #tpu.memory_space<vmem>>, vector<1000x128xf32>
    tpu.vector_store %arg8[%swap3A, %swap3A_28], %add3A_27 {strides = array<i32>} : memref<1000x128xf32, #tpu.memory_space<vmem>>, vector<1000x128xf32>,
    return
  }
  func.func @transform_0(%arg0: i32) -> (i32, i32) {
    %c0_i32 = arith.constant 0 : i32
    %c0_i32_0 = arith.constant 0 : i32
    return %arg0, %c0_i32 : i32, i32
  }
  func.func @transform_1(%arg0: i32) -> (i32, i32) {
    %c0_i32 = arith.constant 0 : i32
    %c0_i32_0 = arith.constant 0 : i32
    return %arg0, %c0_i32 : i32, i32
  }
  func.func @transform_2(%arg0: i32) -> (i32, i32) {
    %c0_i32 = arith.constant 0 : i32
    %c0_i32_0 = arith.constant 0 : i32
    return %arg0, %c0_i32 : i32, i32
  }
  func.func @transform_3(%arg0: i32) -> (i32, i32) {
    %c0_i32 = arith.constant 0 : i32
    %c0_i32_0 = arith.constant 0 : i32
    %c0_i32_1 = arith.constant 0 : i32
    return %c0_i32, %c0_i32_0 : i32, i32
  }
  func.func @transform_4(%arg0: i32) -> (i32, i32) {
    %c0_i32 = arith.constant 0 : i32
    %c0_i32_0 = arith.constant 0 : i32
    %c0_i32_1 = arith.constant 0 : i32
    return %c0_i32, %c0_i32_0 : i32, i32
  }
  func.func @transform_5(%arg0: i32) -> (i32, i32) {
    %c0_i32 = arith.constant 0 : i32
    %c0_i32_0 = arith.constant 0 : i32
    %c0_i32_1 = arith.constant 0 : i32
    return %c0_i32, %c0_i32_0 : i32, i32
  }
  func.func @transform_6(%arg0: i32) -> (i32, i32) {
    %c0_i32 = arith.constant 0 : i32
    %c0_i32_0 = arith.constant 0 : i32
    %c0_i32_1 = arith.constant 0 : i32
    return %c0_i32, %c0_i32_0 : i32, i32
  }
  func.func @transform_7(%arg0: i32) -> (i32, i32) {
    %c0_i32 = arith.constant 0 : i32
    %c0_i32_0 = arith.constant 0 : i32
    return %arg0, %c0_i32 : i32, i32
  }
}

</mosaic_0001>

<sc_bundles>
// kernel: kernel.4.cloned.1.call-start
scs
__scs_entry_jumppad:
0x0: {  	(pc) =	sbr.rel $0x88, $3  }
0x1: {  	(tag) =	ssettag $0x0;
	lr =	simm.s32 $0x1  }
0x2: {  	[smem:$0x3F9B] =	sst lr;
	_ =	strace $0xD0000000  }
0x3: {  	_ = 	snop  }
0x4: {  	_ = 	snop  }
0x5: {  	_ = 	snop  }
0x6: {  	_ = 	snop  }
0x7: {  	_ = 	snop  }
__scs_overlays_trampoline_lowered:
0x8: {  	[smem:$0x3FAA] =	sst s0  }
0x9: {  	[smem:$0x3FAB] =	sst s1  }
0xa: {  	[smem:$0x3FAC] =	sst s2  }
0xb: {  	[smem:$0x3FAD] =	sst s3  }
0xc: {  	[smem:$0x3FAE] =	sst s4  }
0xd: {  	[smem:$0x3FAF] =	sst s5  }
0xe: {  	[smem:$0x3FB0] =	sst s6  }
0xf: {  	[smem:$0x3FB1] =	sst s7  }
0x10: {  	[smem:$0x3FB2] =	sst s8  }
0x11: {  	[smem:$0x3FB3] =	sst s9;
	s0 =	simm.s32 @!p0 $0x0  }
0x12: {  	s1 =	sld [smem:$0x3F99];
	s0 =	simm.s32 @p0 $0x1  }
0x13: {  	[smem:$0x3FB4] =	sst s0;
	s0 =	simm.s32 @!p1 $0x0  }
0x14: {  	s2 =	sld [smem:$0x3F98];
	s0 =	simm.s32 @p1 $0x1  }
0x15: {  	[smem:$0x3FB5] =	sst s0;
	s0 =	simm.s32 @!p2 $0x0  }
0x16: {  	s3 =	sld [smem:$0x3FDB];
	s0 =	simm.s32 @p2 $0x1  }
0x17: {  	s4 =	simm.s32 $0x1BF5;
	[smem:$0x3FB7] =	sst s0  }
0x18: {  	s0 =	sld [smem:$0x3F9A];
	_ =	swait.ge [sflag:s4], $0x0  }
0x19: {  	s7 =	sld [smem:$0x3F9B]  }
0x1a: {  	s8 =	sadd.s32 $0xFFFFE003, lr  }
0x1b: {  	s9 =	sadd.s32 $0xFFFFFEF7, lr;
	s5 =	simm.s32 $0xFFFFFFFF;
	p2 =	slt.u32 s8, $0xFFFFF086  }
0x1c: {  	p1 =	slt.u32 s9, $0xF7A;
	s5 =	simm.s32 @!p2 $0x0  }
0x1d: {  	s5 =	simm.s32 @p1 $0x1;
	p0 =	seq.s32 s7, s2  }
0x1e: {  	s7 =	smul.u32 @!p0 $0xF7A, s2;
	p2 =	seq.s32 @!p0 s5, $0x0  }
0x1f: {  	s9 =	smul.u32 $0xF7A, s1;
	s8 =	simm.s32 @!p0 $0x1BF5;
	p2 =	por !p2, p0  }
0x20: {  	[sflag:s8] =	ssyncset.s32 @!p0 $0xFFFFF086;
	s6 =	sadd.s32 @!p0 s3, s7;
	s7 =	simm.s32 @!p0 $0x108  }
0x21: {  	s3 =	sadd.s32 s3, s9;
	s6 =	sadd.s32 @!p0 $0x88, s6;
	s7 =	simm.s32 @p2 $0x1082  }
0x22: {  	[simem:s7], [sflag:s8] =	dma.local @!p0 [hbm:s6], $0xF7A  }
0x23: {  	s9 =	sor.u32 $0xD0000000, s2;
	s6 =	simm.s32 $0x108;
	_ =	swait.ge @!p0 [sflag:s8], $0x0  }
0x24: {  	s3 =	sadd.s32 $0x88, s3;
	s6 =	simm.s32 @!p1 $0x1082;
	[sflag:s4] =	ssyncset.s32 $0xFFFFF086  }
0x25: {  	[simem:s6], [sflag:s4] =	dma.local [hbm:s3], $0xF7A  }
0x26: {  	[smem:$0x3F9B] =	sst s1;
	(tag) =	ssettag s2;
	_ =	strace s9  }
0x27: {  	s1 =	sld [smem:$0x3FAB]  }
0x28: {  	s2 =	sld [smem:$0x3FAC]  }
0x29: {  	s4 =	sld [smem:$0x3FAE]  }
0x2a: {  	p0 =	seq.s32 s5, $0x0;
	s5 =	sld [smem:$0x3FAF]  }
0x2b: {  	s6 =	sld [smem:$0x3FB0]  }
0x2c: {  	s7 =	sld [smem:$0x3FB1]  }
0x2d: {  	s3 =	simm.s32 $0x108;
	s8 =	sld [smem:$0x3FB2]  }
0x2e: {  	s3 =	simm.s32 @!p0 $0x1082;
	s9 =	sld [smem:$0x3FB3]  }
0x2f: {  	lr =	sadd.s32 s0, s3;
	s0 =	sld [smem:$0x3FAA]  }
0x30: {  	s3 =	sld [smem:$0x3FAD]  }
0x31: {  	[smem:$0x3FB6] =	sst s10  }
0x32: {  	s10 =	sld [smem:$0x3FB4];
	_ =	sdelay $0x3  }
0x33: {  	p0 =	seq.s32 s10, $0x1;
	s10 =	sld [smem:$0x3FB6];
	_ =	sdelay $0x3  }
0x34: {  	[smem:$0x3FB6] =	sst s10  }
0x35: {  	s10 =	sld [smem:$0x3FB5];
	_ =	sdelay $0x3  }
0x36: {  	p1 =	seq.s32 s10, $0x1;
	s10 =	sld [smem:$0x3FB6];
	_ =	sdelay $0x3  }
0x37: {  	[smem:$0x3FB6] =	sst s10  }
0x38: {  	s10 =	sld [smem:$0x3FB7]  }
0x39: {  	_ = 	snop;
	(pc) =	sbr.ind lr, $3  }
0x3a: {  	_ = 	snop  }
0x3b: {  	_ = 	snop  }
0x3c: {  	p2 =	seq.s32 s10, $0x1;
	s10 =	sld [smem:$0x3FB6]  }
0x3d: {  	_ =	shalt  }
0x3e: {  	_ =	shalt  }
0x3f: {  	_ =	shalt  }
0x40: {  	_ =	shalt  }
0x41: {  	_ =	shalt  }
0x42: {  	_ =	shalt  }
0x43: {  	_ =	shalt  }
0x44: {  	_ =	shalt  }
0x45: {  	_ =	shalt  }
0x46: {  	_ =	shalt  }
0x47: {  	_ =	shalt  }
0x48: {  	_ =	shalt  }
0x49: {  	_ =	shalt  }
0x4a: {  	_ =	shalt  }
0x4b: {  	_ =	shalt  }
0x4c: {  	_ =	shalt  }
0x4d: {  	_ =	shalt  }
0x4e: {  	_ =	shalt  }
0x4f: {  	_ =	shalt  }
0x50: {  	_ =	shalt  }
0x51: {  	_ =	shalt  }
0x52: {  	_ =	shalt  }
0x53: {  	_ =	shalt  }
0x54: {  	_ =	shalt  }
0x55: {  	_ =	shalt  }
0x56: {  	_ =	shalt  }
0x57: {  	_ =	shalt  }
0x58: {  	_ =	shalt  }
0x59: {  	_ =	shalt  }
0x5a: {  	_ =	shalt  }
0x5b: {  	_ =	shalt  }
0x5c: {  	_ =	shalt  }
0x5d: {  	_ =	shalt  }
0x5e: {  	_ =	shalt  }
0x5f: {  	_ =	shalt  }
0x60: {  	_ =	shalt  }
0x61: {  	_ =	shalt  }
0x62: {  	_ =	shalt  }
0x63: {  	_ =	shalt  }
0x64: {  	_ =	shalt  }
0x65: {  	_ =	shalt  }
0x66: {  	_ =	shalt  }
0x67: {  	_ =	shalt  }
0x68: {  	_ =	shalt  }
0x69: {  	_ =	shalt  }
0x6a: {  	_ =	shalt  }
0x6b: {  	_ =	shalt  }
0x6c: {  	_ =	shalt  }
0x6d: {  	_ =	shalt  }
0x6e: {  	_ =	shalt  }
0x6f: {  	_ =	shalt  }
0x70: {  	_ =	shalt  }
0x71: {  	_ =	shalt  }
0x72: {  	_ =	shalt  }
0x73: {  	_ =	shalt  }
0x74: {  	_ =	shalt  }
0x75: {  	_ =	shalt  }
0x76: {  	_ =	shalt  }
0x77: {  	_ =	shalt  }
0x78: {  	_ =	shalt  }
0x79: {  	_ =	shalt  }
0x7a: {  	_ =	shalt  }
0x7b: {  	_ =	shalt  }
0x7c: {  	_ =	shalt  }
0x7d: {  	_ =	shalt  }
0x7e: {  	_ =	shalt  }
0x7f: {  	_ =	shalt  }
0x80: {  	_ =	shalt  }
0x81: {  	_ =	shalt  }
0x82: {  	_ =	shalt  }
0x83: {  	_ =	shalt  }
0x84: {  	_ =	shalt  }
0x85: {  	_ =	shalt  }
0x86: {  	_ =	shalt  }
0x87: {  	_ =	shalt  }
.Lfunc_end0:
.L_simem_size_0:
called_computation_lowered:
.L_overlay_start_0:
0x88: {  	s2 =	sld [smem:$0x3FD9]  }
0x89: {  	s3 =	sld [smem:$0x3FFE];
	_ =	sdelay $0x1  }
0x8a: {  	s1 =	srdreg.scid  }
0x8b: {  	s0 =	sand.u32 $0x1, s1  }
0x8c: {  	s17 =	sshll.u32 s0, $0xA;
	s2 =	sadd.s32 s3, s2  }
0x8d: {  	s2 =	sadd.s32 s2, s17  }
0x8e: {  	[smem:$0x3FC2] =	sst s2  }
0x8f: {  	_ = 	snop  }
0x90: {  	s2 =	sld [smem:$0x3FC9]  }
0x91: {  	s18 =	sld [smem:$0x3FD0];
	(tm) =	ssettm $0x1  }
0x92: {  	s4 =	sld [smem:$0x3FFB];
	_ =	sdelay $0x3  }
0x93: {  	_ =	strace s4  }
0x94: {  	s4 =	sld [smem:$0x3FFC];
	_ =	sdelay $0x3  }
0x95: {  	_ =	strace s4  }
0x96: {  	s4 =	sld [smem:$0x3FFD];
	_ =	sdelay $0x3  }
0x97: {  	_ =	strace s4  }
0x98: {  	_ =	strace $0x8FFFFFFF  }
0x99: {  	s19 =	sld [smem:$0x3FDB];
	_ =	sdelay $0x1  }
0x9a: {  	s5 =	simm.s32 $_scs_section_size  }
0x9b: {  	s6 =	simm.s32 $_size__tile_overlayer_lowered;
	s7 =	simm.s32 $_tile_overlayer_lowered  }
0x9c: {  	s22 =	simm.s32 $0x1BFF;
	s21 =	sshll.u32 s7, $0x1;
	s4 =	sadd.s32 s5, s19  }
0x9d: {  	s8 =	simm.s32 $0x0;
	s20 =	sshll.u32 s6, $0x1;
	s6 =	sadd.s32 s21, s4  }
0x9e: {  	[timem:s8], [sflag:s22] =	dma.local [hbm:s6], s20  }
0x9f: {  	_ =	swait.ge [sflag:s22], s20  }
0xa0: {  	s5 =	ssub.s32 $0x0, s20;
	[sflag:s22] =	ssyncset.done $0x0  }
0xa1: {  	[sflag:s22] =	ssyncadd.s32 s5;
	_ =	sdelay $0x1  }
0xa2: {  	s23 =	simm.s32 $0x1B8B  }
0xa3: {  	_ =	swait.ge [sflag:s23], $0x1  }
0xa4: {  	[sflag:s23] =	ssyncset.done $0x0  }
0xa5: {  	s25 =	simm.s32 $0x1B8E;
	s24 =	sld [smem:$0x3FFE];
	[sflag:s23] =	ssyncadd.s32 $0xFFFFFFFF  }
0xa6: {  	s26 =	simm.s32 $execute0_lowered;
	[smem:$0x3FD2] =	sst s25  }
0xa7: {  	s6 =	sshll.u32 s26, $0x1;
	_ =	strace $0x80000046;
	[dreg:$0x1] =	wrdreg $0xFFFFFFFF  }
0xa8: {  	s28 =	simm.s32 $_size_execute0_lowered;
	s4 =	sadd.s32 s4, s6;
	[dreg:$0x0] =	wrdreg $0x0  }
0xa9: {  	s6 =	sshll.u32 s28, $0x1;
	[dreg:$0x2] =	wrdreg s4  }
0xaa: {  	[dreg:$0x3] =	wrdreg s6  }
0xab: {  	[dreg:$0x4] =	wrdreg $0xC0  }
0xac: {  	_ =	task [dreg:s8], $0x5FFFF  }
0xad: {  	[dreg:$0x1] =	wrdreg $0xFFFFFFFF  }
0xae: {  	[dreg:$0x0] =	wrdreg $0x60  }
0xaf: {  	[dreg:$0x2] =	wrdreg s2  }
0xb0: {  	[dreg:$0x3] =	wrdreg s18  }
0xb1: {  	[dreg:$0x4] =	wrdreg s24  }
0xb2: {  	[dreg:$0x5] =	wrdreg $0x0  }
0xb3: {  	[dreg:$0x6] =	wrdreg $0x9  }
0xb4: {  	_ =	task.clear_ibuf [dreg:s8], $0x7FFFF;
	_ =	strace $0x90000046  }
0xb5: {  	s29 =	simm.s32 $0x9;
	_ =	strace $0x80000048  }
0xb6: {  	_ =	swait.ge [sflag:s29], $0x1  }
0xb7: {  	[sflag:s29] =	ssyncadd.s32 $0xFFFFFFFF  }
0xb8: {  	_ =	strace $0x90000048  }
0xb9: {  	_ =	sfence  }
0xba: {  	s30 =	sld [smem:$0x0];
	_ =	sdelay $0x2  }
0xbb: {  	s31 =	sshll.u32 s1, $0xD;
	s1 =	sshrl.u32 s1, $0x2  }
0xbc: {  	s3 =	sand.u32 $0x4000, s31;
	s1 =	sadd.s32 s1, s30  }
0xbd: {  	s0 =	sor.u32 s3, s0;
	s1 =	sshll.u32 s1, $0x11  }
0xbe: {  	s0 =	sor.u32 s1, s0  }
0xbf: {  	s0 =	sadd.s32 $0x8F2B, s0  }
0xc0: {  	[sflag:s0] =	ssyncadd.remote.s32 $0x1  }
0xc1: {  	_ =	sfence.sel $0xFFFF  }
0xc2: {  	[dreg:$0x0] =	wrdreg $0xFFFFFFFF;
	(pc) =	sbr.abs _section_cstart, $3  }
0xc3: {  	[dreg:$0x1] =	wrdreg $0xFFFFFFFF  }
0xc4: {  	_ =	task.clear_ibuf [dreg:s8], $0x2FFFF;
	_ =	strace $0x9FFFFFFF  }
0xc5: {  	(tm) =	ssettm $0x7FFFFFFF  }
tec
execute0_lowered:
.L_overlay_start_1:
0x0: {  	(tag) =	ssettag $0x1  }
0x1: {  	s1 =	rddreg [dreg:$0x0]  }
0x2: {  	s14 =	rddreg [dreg:$0x1]  }
0x3: {  	s6 =	rddreg [dreg:$0x2]  }
0x4: {  	s2 =	rddreg [dreg:$0x3];
	s3 =	srdreg.scid;
	s4 =	simm.s32 $0x0  }
0x5: {  	s0 =	stileid.u32;
	s17 =	simm.s32 $0x13C00;
	s18 =	simm.s32 $0x13C80  }
0x6: {  	s19 =	simm.s32 $0x3;
	s20 =	simm.s32 $0x80;
	s21 =	simm.s32 $0x13E00  }
0x7: {  	s28 =	simm.s32 $0x0;
	s7 =	sand.u32 $0x1, s3;
	s9 =	smul.u32 $0x13C00, s0  }
0x8: {  	[smem:$0x7FF] =	sst s4;
	s5 =	sshll.u32 s0, $0x1;
	s11 =	smul.u32 $0x4F000, s0  }
0x9: {  	s13 =	sadd.s32 $0xE00, s6;
	s25 =	smul.u32 $0x5000, s0;
	s30 =	sshll.u32 s0, $0x6  }
0xa: {  	s8 =	smul.u32 $0x13C000, s7;
	_ =	strace $0x80000047;
	s10 =	sor.u32 s7, s5  }
0xb: {  	s5 =	sadd.s32 $0xB000, s6;
	s23 =	ssub.s32 $0x2, s7;
	s29 =	smul.u32 $0x2800, s7  }
0xc: {  	s22 =	smul.u32 $0x2800, s10;
	s24 =	sshrl.u32 s23, $0x1;
	s26 =	sshrl.u32 s11, $0x2  }
0xd: {  	s8 =	sadd.s32 s9, s8;
	s10 =	ssub.s32 s23, s24;
	s15 =	sadd.s32 s26, s2  }
0xe: {  	s11 =	sadd.s32 s29, s25;
	s23 =	simm.s32 $0x13D80;
	s24 =	simm.s32 $0x17E00  }
0xf: {  	s25 =	simm.s32 $0x1;
	s26 =	simm.s32 $0x2;
	s8 =	sshrl.u32 s8, $0x3  }
0x10: {  	s9 =	sshrl.u32 s22, $0x3;
	s31 =	sor.u32 $0x100, s11;
	s10 =	smax.u32 s10, $0x1  }
0x11: {  	s16 =	sor.u32 $0x80, s11;
	s15 =	sshrl.u32 s15, $0x3;
	s22 =	simm.s32 $0x13D00  }
0x12: {  	s12 =	sadd.s32 s8, s6;
	s6 =	sor.u32 $0x1C04, s30;
	s7 =	sadd.s32 s14, s9  }
0x13: {  	s8 =	sadd.s32 s13, s9;
	s9 =	sadd.s32 $0xD800, s12;
	s12 =	sshrl.u32 s31, $0x3  }
0x14: {  	s16 =	sshrl.u32 s16, $0x3;
	s11 =	sadd.s32 s12, s13;
	s12 =	sadd.s32 s12, s14  }
0x15: {  	s13 =	sadd.s32 s16, s13;
	s14 =	sadd.s32 s16, s14;
	s16 =	simm.s32 $0x4  }
.LBB2_1:
0x16: {  	[spmem:s15], [sflag:s6] =	dma.local [hbm:s5], $0x2780  }
0x17: {  	_ =	swait.ge [sflag:s16], $0x2780  }
0x18: {  	[sflag:s16] =	ssyncset.done $0x0  }
0x19: {  	[sflag:s16] =	ssyncadd.s32 $0xFFFFD880  }
0x1a: {  	[bflag:$0x0] =	sbarrier.arrive $0xFFFF  }
0x1b: {  	[tilespmem:s17], [sflag:$0x3] =	stream.linear.gather [hbm4b:s7+s4], $0x80, $0x38;
	[tilespmem:$0x1BE00] =	vst v63  }
0x1c: {  	_ = 	snop  }
0x1d: {  	[tilespmem:s18], [sflag:$0x3] =	stream.linear.gather [hbm4b:s8+s4], $0x80, $0x38;
	[tilespmem:$0x1BE00] =	vst v63  }
0x1e: {  	_ =	swait.ge [sflag:s19], $0x80  }
0x1f: {  	[sflag:s19] =	ssyncset.done $0x0  }
0x20: {  	[sflag:s19] =	ssyncadd.s32 $0xFFFFFF80  }
0x21: {  	_ =	swait.ge [sflag:s19], $0x80  }
0x22: {  	[sflag:s19] =	ssyncset.done $0x0  }
0x23: {  	[sflag:s19] =	ssyncadd.s32 $0xFFFFFF80  }
0x24: {  	[tilespmem:s21], [sflag:$0x1] =	stream.indirect.gather [hbm4b:s1+s20], $0x80, s17, s20, $0xb8;
	[tilespmem:$0x1BE00] =	vst v63  }
0x25: {  	s29 =	sadd.s32 $0x0, s14  }
0x26: {  	[tilespmem:s22], [sflag:$0x3] =	stream.linear.gather [hbm4b:s29+s4], $0x80, $0x38;
	[tilespmem:$0x1BE00] =	vst v63  }
0x27: {  	s29 =	sadd.s32 $0x0, s13  }
0x28: {  	[tilespmem:s23], [sflag:$0x3] =	stream.linear.gather [hbm4b:s29+s4], $0x80, $0x38;
	[tilespmem:$0x1BE00] =	vst v63  }
0x29: {  	_ =	swait.ge [sflag:s19], $0x80  }
0x2a: {  	[sflag:s19] =	ssyncset.done $0x0  }
0x2b: {  	[sflag:s19] =	ssyncadd.s32 $0xFFFFFF80  }
0x2c: {  	_ =	swait.ge [sflag:s19], $0x80  }
0x2d: {  	[sflag:s19] =	ssyncset.done $0x0  }
0x2e: {  	[sflag:s19] =	ssyncadd.s32 $0xFFFFFF80  }
0x2f: {  	[tilespmem:s24], [sflag:$0x2] =	stream.indirect.gather [hbm4b:s1+s20], $0x80, s22, s20, $0xb8;
	[tilespmem:$0x1BE00] =	vst v63  }
0x30: {  	_ =	swait.ge [sflag:s25], $0x4000  }
0x31: {  	[sflag:s25] =	ssyncset.done $0x0  }
0x32: {  	[sflag:s25] =	ssyncadd.s32 $0xFFFFC000  }
0x33: {  	[spmem:s2] =	stream.indirect.scatter.add.f32 [tilespmem:s21], [sflag:$0x4], $0x80, s18, s20, $0xb8;
	[tilespmem:$0x1BE00] =	vst v63  }
0x34: {  	_ =	swait.ge [sflag:s16], $0x4000  }
0x35: {  	[sflag:s16] =	ssyncset.done $0x0  }
0x36: {  	s29 =	sadd.s32 $0x0, s12;
	[sflag:s16] =	ssyncadd.s32 $0xFFFFC000  }
0x37: {  	[tilespmem:s17], [sflag:$0x3] =	stream.linear.gather [hbm4b:s29+s4], $0x80, $0x38;
	[tilespmem:$0x1BE00] =	vst v63  }
0x38: {  	s29 =	sadd.s32 $0x0, s11  }
0x39: {  	[tilespmem:s18], [sflag:$0x3] =	stream.linear.gather [hbm4b:s29+s4], $0x80, $0x38;
	[tilespmem:$0x1BE00] =	vst v63  }
0x3a: {  	_ =	swait.ge [sflag:s19], $0x80  }
0x3b: {  	[sflag:s19] =	ssyncset.done $0x0  }
0x3c: {  	[sflag:s19] =	ssyncadd.s32 $0xFFFFFF80  }
0x3d: {  	_ =	swait.ge [sflag:s19], $0x80  }
0x3e: {  	[sflag:s19] =	ssyncset.done $0x0  }
0x3f: {  	[sflag:s19] =	ssyncadd.s32 $0xFFFFFF80  }
0x40: {  	[tilespmem:s21], [sflag:$0x1] =	stream.indirect.gather [hbm4b:s1+s20], $0x80, s17, s20, $0xb8;
	[tilespmem:$0x1BE00] =	vst v63  }
0x41: {  	_ =	swait.ge [sflag:s26], $0x4000  }
0x42: {  	[sflag:s26] =	ssyncset.done $0x0  }
0x43: {  	[sflag:s26] =	ssyncadd.s32 $0xFFFFC000  }
0x44: {  	[spmem:s2] =	stream.indirect.scatter.add.f32 [tilespmem:s24], [sflag:$0x4], $0x80, s23, s20, $0xb8;
	[tilespmem:$0x1BE00] =	vst v63  }
0x45: {  	_ =	swait.ge [sflag:s16], $0x4000  }
0x46: {  	s31 =	simm.s32 $0x40;
	s29 =	simm.s32 $0x20;
	[sflag:s16] =	ssyncset.done $0x0  }
.LBB2_2:
0x47: {  	s0 =	sadd.s32 s29, s14  }
0x48: {  	[sflag:s16] =	ssyncadd.s32 $0xFFFFC000;
	s3 =	smov.u32 s31;
	s30 =	sadd.s32 $0x20, s31  }
0x49: {  	[tilespmem:s22], [sflag:$0x3] =	stream.linear.gather [hbm4b:s0+s4], $0x80, $0x38;
	[tilespmem:$0x1BE00] =	vst v63  }
0x4a: {  	p0 =	sne.s32 s31, $0x4E0;
	s0 =	sadd.s32 s29, s13  }
0x4b: {  	[tilespmem:s23], [sflag:$0x3] =	stream.linear.gather [hbm4b:s0+s4], $0x80, $0x38;
	[tilespmem:$0x1BE00] =	vst v63  }
0x4c: {  	_ =	swait.ge [sflag:s19], $0x80  }
0x4d: {  	[sflag:s19] =	ssyncset.done $0x0  }
0x4e: {  	[sflag:s19] =	ssyncadd.s32 $0xFFFFFF80  }
0x4f: {  	_ =	swait.ge [sflag:s19], $0x80  }
0x50: {  	[sflag:s19] =	ssyncset.done $0x0  }
0x51: {  	[sflag:s19] =	ssyncadd.s32 $0xFFFFFF80  }
0x52: {  	[tilespmem:s24], [sflag:$0x2] =	stream.indirect.gather [hbm4b:s1+s20], $0x80, s22, s20, $0xb8;
	[tilespmem:$0x1BE00] =	vst v63  }
0x53: {  	_ =	swait.ge [sflag:s25], $0x4000  }
0x54: {  	[sflag:s25] =	ssyncset.done $0x0  }
0x55: {  	[sflag:s25] =	ssyncadd.s32 $0xFFFFC000  }
0x56: {  	[spmem:s2] =	stream.indirect.scatter.add.f32 [tilespmem:s21], [sflag:$0x4], $0x80, s18, s20, $0xb8;
	[tilespmem:$0x1BE00] =	vst v63  }
0x57: {  	_ =	swait.ge [sflag:s16], $0x4000  }
0x58: {  	[sflag:s16] =	ssyncset.done $0x0  }
0x59: {  	s0 =	sadd.s32 s29, s12;
	[sflag:s16] =	ssyncadd.s32 $0xFFFFC000  }
0x5a: {  	[tilespmem:s17], [sflag:$0x3] =	stream.linear.gather [hbm4b:s0+s4], $0x80, $0x38;
	[tilespmem:$0x1BE00] =	vst v63  }
0x5b: {  	s0 =	sadd.s32 s29, s11;
	s29 =	smov.u32 s3  }
0x5c: {  	[tilespmem:s18], [sflag:$0x3] =	stream.linear.gather [hbm4b:s0+s4], $0x80, $0x38;
	[tilespmem:$0x1BE00] =	vst v63  }
0x5d: {  	_ =	swait.ge [sflag:s19], $0x80  }
0x5e: {  	[sflag:s19] =	ssyncset.done $0x0  }
0x5f: {  	[sflag:s19] =	ssyncadd.s32 $0xFFFFFF80  }
0x60: {  	_ =	swait.ge [sflag:s19], $0x80  }
0x61: {  	[sflag:s19] =	ssyncset.done $0x0  }
0x62: {  	[sflag:s19] =	ssyncadd.s32 $0xFFFFFF80  }
0x63: {  	[tilespmem:s21], [sflag:$0x1] =	stream.indirect.gather [hbm4b:s1+s20], $0x80, s17, s20, $0xb8;
	[tilespmem:$0x1BE00] =	vst v63  }
0x64: {  	_ =	swait.ge [sflag:s26], $0x4000  }
.Ltmp0:
0x65: {  	[sflag:s26] =	ssyncset.done $0x0;
	(pc) =	sbr.rel @p0 .LBB2_2-.Ltmp0, $4  }
0x66: {  	[sflag:s26] =	ssyncadd.s32 $0xFFFFC000  }
0x67: {  	[spmem:s2] =	stream.indirect.scatter.add.f32 [tilespmem:s24], [sflag:$0x4], $0x80, s23, s20, $0xb8;
	[tilespmem:$0x1BE00] =	vst v63  }
0x68: {  	_ =	swait.ge [sflag:s16], $0x4000  }
0x69: {  	s31 =	smov.u32 s30;
	[sflag:s16] =	ssyncset.done $0x0  }
0x6a: {  	s0 =	sadd.s32 s29, s14;
	[sflag:s16] =	ssyncadd.s32 $0xFFFFC000  }
0x6b: {  	[tilespmem:s22], [sflag:$0x3] =	stream.linear.gather [hbm4b:s0+s4], $0x80, $0x38;
	[tilespmem:$0x1BE00] =	vst v63  }
0x6c: {  	s3 =	sadd.s32 s29, s13  }
0x6d: {  	[tilespmem:s23], [sflag:$0x3] =	stream.linear.gather [hbm4b:s3+s4], $0x80, $0x38;
	[tilespmem:$0x1BE00] =	vst v63  }
0x6e: {  	_ =	swait.ge [sflag:s19], $0x80  }
0x6f: {  	[sflag:s19] =	ssyncset.done $0x0  }
0x70: {  	[sflag:s19] =	ssyncadd.s32 $0xFFFFFF80  }
0x71: {  	_ =	swait.ge [sflag:s19], $0x80  }
0x72: {  	[sflag:s19] =	ssyncset.done $0x0  }
0x73: {  	[sflag:s19] =	ssyncadd.s32 $0xFFFFFF80  }
0x74: {  	[tilespmem:s24], [sflag:$0x2] =	stream.indirect.gather [hbm4b:s1+s20], $0x80, s22, s20, $0xb8;
	[tilespmem:$0x1BE00] =	vst v63  }
0x75: {  	_ =	swait.ge [sflag:s25], $0x4000  }
0x76: {  	[sflag:s25] =	ssyncset.done $0x0  }
0x77: {  	[sflag:s25] =	ssyncadd.s32 $0xFFFFC000  }
0x78: {  	[spmem:s2] =	stream.indirect.scatter.add.f32 [tilespmem:s21], [sflag:$0x4], $0x80, s18, s20, $0xb8;
	[tilespmem:$0x1BE00] =	vst v63  }
0x79: {  	_ =	swait.ge [sflag:s16], $0x4000  }
0x7a: {  	[sflag:s16] =	ssyncset.done $0x0  }
0x7b: {  	s30 =	sadd.s32 s29, s12;
	[sflag:s16] =	ssyncadd.s32 $0xFFFFC000  }
0x7c: {  	[tilespmem:s17], [sflag:$0x3] =	stream.linear.gather [hbm4b:s30+s4], $0x80, $0x38;
	[tilespmem:$0x1BE00] =	vst v63  }
0x7d: {  	s31 =	sadd.s32 s29, s11  }
0x7e: {  	[tilespmem:s18], [sflag:$0x3] =	stream.linear.gather [hbm4b:s31+s4], $0x80, $0x38;
	[tilespmem:$0x1BE00] =	vst v63  }
0x7f: {  	_ =	swait.ge [sflag:s19], $0x80  }
0x80: {  	[sflag:s19] =	ssyncset.done $0x0  }
0x81: {  	[sflag:s19] =	ssyncadd.s32 $0xFFFFFF80  }
0x82: {  	_ =	swait.ge [sflag:s19], $0x80  }
0x83: {  	[sflag:s19] =	ssyncset.done $0x0  }
0x84: {  	[sflag:s19] =	ssyncadd.s32 $0xFFFFFF80  }
0x85: {  	[tilespmem:s21], [sflag:$0x1] =	stream.indirect.gather [hbm4b:s1+s20], $0x80, s17, s20, $0xb8;
	[tilespmem:$0x1BE00] =	vst v63  }
0x86: {  	_ =	swait.ge [sflag:s26], $0x4000  }
0x87: {  	[sflag:s26] =	ssyncset.done $0x0  }
0x88: {  	[sflag:s26] =	ssyncadd.s32 $0xFFFFC000  }
0x89: {  	[spmem:s2] =	stream.indirect.scatter.add.f32 [tilespmem:s24], [sflag:$0x4], $0x80, s23, s20, $0xb8;
	[tilespmem:$0x1BE00] =	vst v63  }
0x8a: {  	_ =	swait.ge [sflag:s16], $0x4000  }
0x8b: {  	[sflag:s16] =	ssyncset.done $0x0  }
0x8c: {  	[sflag:s16] =	ssyncadd.s32 $0xFFFFC000  }
0x8d: {  	_ =	swait.ge [sflag:s25], $0x4000  }
0x8e: {  	s28 =	sadd.s32 $0x1, s28;
	[sflag:s25] =	ssyncset.done $0x0  }
0x8f: {  	p0 =	sne.s32 s28, s10;
	[sflag:s25] =	ssyncadd.s32 $0xFFFFC000  }
.Ltmp1:
0x90: {  	[bflag:$0x0] =	sbarrier.arrive $0xFFFF;
	(pc) =	sbr.rel @p0 .LBB2_1-.Ltmp1, $4  }
0x91: {  	[hbm:s9], [sflag:s6] =	dma.local [spmem:s15], $0x2780  }
0x92: {  	_ =	swait.ge [sflag:s16], $0x2780  }
0x93: {  	[sflag:s16] =	ssyncset.done $0x0  }
0x94: {  	[sflag:s16] =	ssyncadd.s32 $0xFFFFD880  }
0x95: {  	_ =	sfence.sel $0x180000  }
0x96: {  	[bflag:$0x0] =	sbarrier.arrive $0xFFFF  }
0x97: {  	_ =	strace $0x90000047  }
0x98: {  	s0 =	stileid.u32;
	[bflag:$0x2] =	sbarrier.arrive $0xFFFF  }
0x99: {  	p0 =	sne.s32 s0, $0x0;
	s0 =	rddreg [dreg:$0x4]  }
0x9a: {  	s0 =	sadd.s32 @!p0 $0x100000, s0  }
0x9b: {  	[sflag:s0] =	ssyncadd.tile.s32 @!p0 $0x1;
	_ =	shalt  }
.Lfunc_end2:
_tile_overlayer_lowered:
.L_overlay_start_2:
0x9c: {  	(tag) =	ssettag $0x2  }
0x9d: {  	s0 =	rddreg [dreg:$0x0];
	s2 =	stileid.u32  }
0x9e: {  	s1 =	rddreg [dreg:$0x1];
	p0 =	sne.s32 s2, $0x0  }
0x9f: {  	s3 =	rddreg [dreg:$0x2];
	[bflag:$0x3] =	sbarrier.arrive $0xFFFF;
	s2 =	simm.s32 @!p0 $0x1C04  }
0xa0: {  	[timem:s3], [sflag:s2] =	dma.local @!p0 [hbm:s0], s1  }
0xa1: {  	s0 =	simm.s32 @!p0 $0x4  }
0xa2: {  	_ =	swait.ge @!p0 [sflag:s0], s1  }
0xa3: {  	s1 =	ssub.s32 @!p0 $0x0, s1;
	[sflag:s0] =	ssyncset.done @!p0 $0x0  }
0xa4: {  	[sflag:s0] =	ssyncadd.s32 @!p0 s1  }
0xa5: {  	[bflag:$0x3] =	sbarrier.arrive $0xFFFF  }
0xa6: {  	_ =	shalt  }

</sc_bundles>
